<compile_context>
chip_gen: v7x
topology: tpu7x:2x2x1
jax: 0.10.2.dev20260603
libtpu: 0.0.44.dev20260713+nightly
codegen_flags: <defaults>
</compile_context>

<pallas_src>
import functools

import jax
import jax.numpy as jnp
from jax import lax
from jax.experimental import pallas as pl
from jax.experimental.pallas import tpu as pltpu
from jax.experimental.pallas import tpu_sc as plsc

N_NODES = 10000
N_EDGES = 320000
D = 128
N_GRAPHS = 256

NC, NS = 2, 16
CHUNK = 80
EDGES_PER_TILE = N_EDGES // NS
NCHUNK = EDGES_PER_TILE // CHUNK
EPT_PAD = NCHUNK * CHUNK
N_PAD = 10240
HALF = N_PAD // 2
ACC_ROWS = HALF + 8
ZROWS = HALF // NS
NBUF = 2

TC_BLK = 2000
TC_NB = N_NODES // TC_BLK


def _sc_agg_body(src_hbm, dst_hbm, x_hbm, zeros_hbm, out_hbm,
                 src_v, dst_v, rows_v, acc_sh, gsem, isem):
    c = lax.axis_index("c")
    s = lax.axis_index("s")
    lo = c * HALF

    pltpu.sync_copy(src_hbm.at[s], src_v)
    pltpu.async_copy(zeros_hbm, acc_sh.at[pl.ds(s * ZROWS, ZROWS)], isem)
    pltpu.async_copy(dst_hbm.at[s], dst_v, isem)

    pltpu.async_copy(x_hbm.at[src_v.at[0]], rows_v.at[0], gsem)

    pltpu.make_async_copy(zeros_hbm,
                          acc_sh.at[pl.ds(s * ZROWS, ZROWS)], isem).wait()
    pltpu.make_async_copy(dst_hbm.at[s], dst_v, isem).wait()

    plsc.subcore_barrier()

    def body(i, _):
        b = lax.rem(i, NBUF)

        for j in range(CHUNK // 16):
            v = dst_v[i, pl.ds(j * 16, 16)] - lo
            ok = (v >= 0) & (v < HALF)
            dst_v[i, pl.ds(j * 16, 16)] = jnp.where(ok, v, HALF)

        pltpu.make_async_copy(x_hbm.at[src_v.at[i]], rows_v.at[b], gsem).wait()

        @pl.when(i + 1 < NCHUNK)
        def _():
            pltpu.async_copy(x_hbm.at[src_v.at[i + 1]],
                             rows_v.at[lax.rem(i + 1, NBUF)], gsem)

        pltpu.sync_copy(rows_v.at[b], acc_sh.at[dst_v.at[i]], add=True)
        return 0

    lax.fori_loop(0, NCHUNK, body, 0)

    plsc.subcore_barrier()

    pltpu.sync_copy(acc_sh.at[pl.ds(s * ZROWS, ZROWS)],
                    out_hbm.at[c, pl.ds(s * ZROWS, ZROWS)])


@functools.cache
def _sc_agg():
    return functools.partial(
        pl.kernel,
        out_type=jax.ShapeDtypeStruct((NC, HALF, D), jnp.float32),
        mesh=plsc.VectorSubcoreMesh(core_axis_name="c", subcore_axis_name="s",
                                    num_cores=NC, num_subcores=NS),
        scratch_types=[
            pltpu.VMEM((NCHUNK, CHUNK), jnp.int32),
            pltpu.VMEM((NCHUNK, CHUNK), jnp.int32),
            pltpu.VMEM((NBUF, CHUNK, D), jnp.float32),
            pltpu.VMEM_SHARED((ACC_ROWS, D), jnp.float32),
            pltpu.SemaphoreType.DMA,
            pltpu.SemaphoreType.DMA,
        ],
    )(_sc_agg_body)


def _tc_body(x_ref, a_ref, b_ref, Wm_ref, bm_ref,
             W1_ref, b1_ref, W2_ref, b2_ref, out_ref, sums_ref, cnts_ref):
    i = pl.program_id(0)

    @pl.when(i == 0)
    def _():
        sums_ref[:] = jnp.zeros_like(sums_ref)
        cnts_ref[:] = jnp.zeros_like(cnts_ref)

    xa = x_ref[:] + a_ref[:]
    h = jnp.maximum(
        jnp.dot(xa, Wm_ref[:], preferred_element_type=jnp.float32) + bm_ref[:],
        0.0)

    bid = b_ref[0, 0, :]
    gids = lax.broadcasted_iota(jnp.int32, (N_GRAPHS, TC_BLK), 0)
    onehot = jnp.where(gids == bid[None, :], 1.0, 0.0)
    sums_ref[:] += jnp.dot(onehot, h, preferred_element_type=jnp.float32)
    cnts_ref[:] += jnp.broadcast_to(
        jnp.sum(onehot, axis=1, keepdims=True), (N_GRAPHS, D))

    @pl.when(i == TC_NB - 1)
    def _():
        H = sums_ref[:] / jnp.maximum(cnts_ref[:], 1.0)
        Z1 = jnp.maximum(
            jnp.dot(H, W1_ref[:], preferred_element_type=jnp.float32) + b1_ref[:],
            0.0)
        Z = jnp.dot(Z1, W2_ref[:], preferred_element_type=jnp.float32) + b2_ref[:]
        out_ref[:] = Z + H


_tc_call = pl.pallas_call(
    _tc_body,
    grid=(TC_NB,),
    in_specs=[
        pl.BlockSpec((TC_BLK, D), lambda i: (i, 0)),
        pl.BlockSpec((TC_BLK, D), lambda i: (i, 0)),
        pl.BlockSpec((1, 1, TC_BLK), lambda i: (i, 0, 0)),
        pl.BlockSpec((D, D), lambda i: (0, 0)),
        pl.BlockSpec((1, D), lambda i: (0, 0)),
        pl.BlockSpec((D, D), lambda i: (0, 0)),
        pl.BlockSpec((1, D), lambda i: (0, 0)),
        pl.BlockSpec((D, D), lambda i: (0, 0)),
        pl.BlockSpec((1, D), lambda i: (0, 0)),
    ],
    out_specs=pl.BlockSpec((N_GRAPHS, D), lambda i: (0, 0)),
    out_shape=jax.ShapeDtypeStruct((N_GRAPHS, D), jnp.float32),
    scratch_shapes=[
        pltpu.VMEM((N_GRAPHS, D), jnp.float32),
        pltpu.VMEM((N_GRAPHS, D), jnp.float32),
    ],
    compiler_params=pltpu.CompilerParams(
        dimension_semantics=("arbitrary",)),
)


def kernel(x, edge_index, batch, W_msg, b_msg, W1, b1, W2, b2):
    src = edge_index[0].astype(jnp.int32).reshape(NS, NCHUNK, CHUNK)
    dst = edge_index[1].astype(jnp.int32).reshape(NS, NCHUNK, CHUNK)
    zeros = jnp.zeros((ZROWS, D), jnp.float32)

    agg = _sc_agg()(src, dst, x, zeros).reshape(N_PAD, D)

    batch3 = batch.astype(jnp.int32).reshape(TC_NB, 1, TC_BLK)
    return _tc_call(x, agg, batch3,
                    W_msg, b_msg.reshape(1, D), W1, b1.reshape(1, D),
                    W2, b2.reshape(1, D))

# --- scband reference (transcript-rebuilt; emitter-appended) ---
"""Pipeline reference for scband-stack-16226386444291 (READ-ONLY COPY).

The authoritative reference and input builder live on the scoring server;
editing this copy changes nothing except your own understanding.
"""

import jax, jax.numpy as jnp
import numpy as np

N_NODES = 10000
N_EDGES = 320000
D = 128
N_GRAPHS = 256

def setup_inputs(seed: int = 0) -> dict:
    key = jax.random.key(seed)
    ks = jax.random.split(key, 10)
    x = jax.random.normal(ks[0], (N_NODES, D), dtype=jnp.float32)
    edge_index = jax.random.randint(ks[1], (2, N_EDGES), 0, N_NODES, dtype=jnp.int64)
    batch = jnp.sort(jax.random.randint(ks[2], (N_NODES,), 0, N_GRAPHS, dtype=jnp.int64))
    # message passing weights
    W_msg = jax.random.normal(ks[3], (D, D), dtype=jnp.float32) * (1.0 / np.sqrt(D))
    b_msg = jnp.zeros((D,), dtype=jnp.float32)
    # encoder MLP (n_layers=1 hidden): Linear(D, D) -> relu -> Linear(D, D)
    W1 = jax.random.normal(ks[4], (D, D), dtype=jnp.float32) * (1.0 / np.sqrt(D))
    b1 = jnp.zeros((D,), dtype=jnp.float32)
    W2 = jax.random.normal(ks[5], (D, D), dtype=jnp.float32) * (1.0 / np.sqrt(D))
    b2 = jnp.zeros((D,), dtype=jnp.float32)
    return {"x": x, "edge_index": edge_index, "batch": batch,
            "W_msg": W_msg, "b_msg": b_msg, "W1": W1, "b1": b1, "W2": W2, "b2": b2}

def reference(x, edge_index, batch, W_msg, b_msg, W1, b1, W2, b2):
    src = edge_index[0]
    dst = edge_index[1]
    # message passing: gather neighbor features, scatter-add to dst nodes
    msg = jnp.take(x, src, axis=0)                                   # [E, D] gather
    agg_nb = jax.ops.segment_sum(msg, dst, num_segments=N_NODES)      # [N, D] scatter-add
    H_v = jax.nn.relu((x + agg_nb) @ W_msg + b_msg)                   # [N, D]
    # graph-level aggregation (mean over batch segment ids)
    sums = jax.ops.segment_sum(H_v, batch, num_segments=N_GRAPHS)     # [G, D]
    counts = jax.ops.segment_sum(jnp.ones((N_NODES, 1), dtype=H_v.dtype), batch, num_segments=N_GRAPHS)
    H = sums / jnp.maximum(counts, 1.0)                               # [G, D]
    # bn is Identity (batch_norm=False); X_d is None so no layernorm/concat
    # encoder MLP
    Z = jax.nn.relu(H @ W1 + b1) @ W2 + b2                            # [G, D]
    return Z + H

if __name__ == "__main__":
    import jax
    _d = setup_inputs()
    print(jax.jit(kernel)(*tuple(_d.values())))

</pallas_src>

<mosaic_0001>
#map = affine_map<(d0, d1) -> (0, 0, 0)>
#map1 = affine_map<(d0, d1) -> (0, 0)>
module attributes {stable_mosaic.version = 14 : i64} {
  func.func @_sc_agg_body(%arg0: i32, %arg1: i32, %arg2: memref<16x250x80xi32, #tpu.memory_space<hbm>>, %arg3: memref<16x250x80xi32, #tpu.memory_space<hbm>>, %arg4: memref<10000x128xf32, #tpu.memory_space<hbm>>, %arg5: memref<320x128xf32, #tpu.memory_space<hbm>>, %arg6: memref<2x5120x128xf32, #tpu.memory_space<hbm>>, %arg7: memref<250x80xi32, #tpu.memory_space<vmem>>, %arg8: memref<250x80xi32, #tpu.memory_space<vmem>>, %arg9: memref<2x80x128xf32, #tpu.memory_space<vmem>>, %arg10: memref<5128x128xf32, #tpu.memory_space<vmem_shared>>, %arg11: memref<!tpu.dma_semaphore, #tpu.memory_space<semaphore_mem>>, %arg12: memref<!tpu.dma_semaphore, #tpu.memory_space<semaphore_mem>>) attributes {dimension_semantics = [#tpu.dimension_semantics<core_parallel>, #tpu.dimension_semantics<subcore_parallel>], iteration_bounds = array<i64: 2, 16>, scalar_prefetch = 0 : i64, scratch_operands = 6 : i64, tpu.core_type = #tpu.core_type<sc_vector_subcore>, window_params = [{transform_indices = #map}, {transform_indices = #map}, {transform_indices = #map1}, {transform_indices = #map1}, {transform_indices = #map}]} {
    %mul3A = arith.constant 5120 : i32
    %mul3A_0 = arith.muli %arg0, %mul3A : i32
    "tpu.region"() ({
      %run_scoped3A = tpu.sem_alloc : memref<!tpu.dma_semaphore, #tpu.memory_space<semaphore_mem>>
      %dma_start3A_46 = arith.constant 0 : i32
      %dma_start3A_47 = arith.constant 0 : i32
      %dma_start3A_48 = tpu.memref_slice %arg2[%arg1, %dma_start3A_46, %dma_start3A_47] : memref<16x250x80xi32, #tpu.memory_space<hbm>> -> memref<1x250x80xi32, #tpu.memory_space<hbm>>
      %dma_start3A_49 = tpu.memref_squeeze %dma_start3A_48 : memref<1x250x80xi32, #tpu.memory_space<hbm>> -> memref<250x80xi32, #tpu.memory_space<hbm>>
      %dma_start3A_50 = arith.constant 0 : i32
      %dma_start3A_51 = arith.constant 0 : i32
      %dma_start3A_52 = tpu.memref_slice %arg2[%arg1, %dma_start3A_50, %dma_start3A_51] : memref<16x250x80xi32, #tpu.memory_space<hbm>> -> memref<1x250x80xi32, #tpu.memory_space<hbm>>
      %dma_start3A_53 = tpu.memref_squeeze %dma_start3A_52 : memref<1x250x80xi32, #tpu.memory_space<hbm>> -> memref<250x80xi32, #tpu.memory_space<hbm>>
      tpu.enqueue_dma source(%dma_start3A_53 : memref<250x80xi32, #tpu.memory_space<hbm>>) target(%arg7 : memref<250x80xi32, #tpu.memory_space<vmem>>) target_semaphore(%run_scoped3A : memref<!tpu.dma_semaphore, #tpu.memory_space<semaphore_mem>>)
      %dma_wait3A_54 = arith.constant 0 : i32
      %dma_wait3A_55 = arith.constant 0 : i32
      %dma_wait3A_56 = tpu.memref_slice %arg2[%arg1, %dma_wait3A_54, %dma_wait3A_55] : memref<16x250x80xi32, #tpu.memory_space<hbm>> -> memref<1x250x80xi32, #tpu.memory_space<hbm>>
      %dma_wait3A_57 = tpu.memref_squeeze %dma_wait3A_56 : memref<1x250x80xi32, #tpu.memory_space<hbm>> -> memref<250x80xi32, #tpu.memory_space<hbm>>
      %dma_wait3A_58 = arith.constant 0 : i32
      %dma_wait3A_59 = arith.constant 0 : i32
      %dma_wait3A_60 = tpu.memref_slice %arg2[%arg1, %dma_wait3A_58, %dma_wait3A_59] : memref<16x250x80xi32, #tpu.memory_space<hbm>> -> memref<1x250x80xi32, #tpu.memory_space<hbm>>
      %dma_wait3A_61 = tpu.memref_squeeze %dma_wait3A_60 : memref<1x250x80xi32, #tpu.memory_space<hbm>> -> memref<250x80xi32, #tpu.memory_space<hbm>>
      tpu.wait_dma2 semaphore(%run_scoped3A : memref<!tpu.dma_semaphore, #tpu.memory_space<semaphore_mem>>) src(%dma_wait3A_61 : memref<250x80xi32, #tpu.memory_space<hbm>>) dst(%arg7 : memref<250x80xi32, #tpu.memory_space<vmem>>)
      tpu.yield
    }) : () -> ()
    %mul3A_1 = arith.constant 320 : i32
    %mul3A_2 = arith.muli %arg1, %mul3A_1 : i32
    %dma_start3A = arith.constant 0 : i32
    %dma_start3A_3 = tpu.memref_slice %arg10[%mul3A_2, %dma_start3A] : memref<5128x128xf32, #tpu.memory_space<vmem_shared>> -> memref<320x128xf32, #tpu.memory_space<vmem_shared>>
    tpu.enqueue_dma source(%arg5 : memref<320x128xf32, #tpu.memory_space<hbm>>) target(%dma_start3A_3 : memref<320x128xf32, #tpu.memory_space<vmem_shared>>) target_semaphore(%arg12 : memref<!tpu.dma_semaphore, #tpu.memory_space<semaphore_mem>>)
    %dma_start3A_4 = arith.constant 0 : i32
    %dma_start3A_5 = arith.constant 0 : i32
    %dma_start3A_6 = tpu.memref_slice %arg3[%arg1, %dma_start3A_4, %dma_start3A_5] : memref<16x250x80xi32, #tpu.memory_space<hbm>> -> memref<1x250x80xi32, #tpu.memory_space<hbm>>
    %dma_start3A_7 = tpu.memref_squeeze %dma_start3A_6 : memref<1x250x80xi32, #tpu.memory_space<hbm>> -> memref<250x80xi32, #tpu.memory_space<hbm>>
    %dma_start3A_8 = arith.constant 0 : i32
    %dma_start3A_9 = arith.constant 0 : i32
    %dma_start3A_10 = tpu.memref_slice %arg3[%arg1, %dma_start3A_8, %dma_start3A_9] : memref<16x250x80xi32, #tpu.memory_space<hbm>> -> memref<1x250x80xi32, #tpu.memory_space<hbm>>
    %dma_start3A_11 = tpu.memref_squeeze %dma_start3A_10 : memref<1x250x80xi32, #tpu.memory_space<hbm>> -> memref<250x80xi32, #tpu.memory_space<hbm>>
    tpu.enqueue_dma source(%dma_start3A_11 : memref<250x80xi32, #tpu.memory_space<hbm>>) target(%arg8 : memref<250x80xi32, #tpu.memory_space<vmem>>) target_semaphore(%arg12 : memref<!tpu.dma_semaphore, #tpu.memory_space<semaphore_mem>>)
    %dma_start3A_12 = arith.constant 0 : i32
    %dma_start3A_13 = arith.constant 0 : i32
    %dma_start3A_14 = arith.constant 0 : i32
    %dma_start3A_15 = arith.constant 0 : i32
    %dma_start3A_16 = tpu.memref_slice %arg9[%dma_start3A_13, %dma_start3A_14, %dma_start3A_15] : memref<2x80x128xf32, #tpu.memory_space<vmem>> -> memref<1x80x128xf32, #tpu.memory_space<vmem>>
    %dma_start3A_17 = tpu.memref_squeeze %dma_start3A_16 : memref<1x80x128xf32, #tpu.memory_space<vmem>> -> memref<80x128xf32, #tpu.memory_space<vmem>>
    %dma_start3A_18 = arith.constant 0 : i32
    %dma_start3A_19 = tpu.memref_slice %arg7[%dma_start3A_12, %dma_start3A_18] : memref<250x80xi32, #tpu.memory_space<vmem>> -> memref<1x80xi32, #tpu.memory_space<vmem>>
    %dma_start3A_20 = tpu.memref_squeeze %dma_start3A_19 : memref<1x80xi32, #tpu.memory_space<vmem>> -> memref<80xi32, #tpu.memory_space<vmem>>
    %dma_start3A_21 = arith.constant 0 : i32
    %dma_start3A_22 = arith.constant 0 : i32
    %dma_start3A_23 = tpu.memref_slice %arg4[%dma_start3A_21, %dma_start3A_22] : memref<10000x128xf32, #tpu.memory_space<hbm>> -> memref<10000x128xf32, #tpu.memory_space<hbm>>
    tpu.enqueue_indirect_dma source(%dma_start3A_23 : memref<10000x128xf32, #tpu.memory_space<hbm>>) target(%dma_start3A_17 : memref<80x128xf32, #tpu.memory_space<vmem>>) offsets(%dma_start3A_20 : memref<80xi32, #tpu.memory_space<vmem>>) semaphore(%arg11 : memref<!tpu.dma_semaphore, #tpu.memory_space<semaphore_mem>>)
    %mul3A_24 = arith.constant 320 : i32
    %mul3A_25 = arith.muli %arg1, %mul3A_24 : i32
    %dma_wait3A = arith.constant 0 : i32
    %dma_wait3A_26 = tpu.memref_slice %arg10[%mul3A_25, %dma_wait3A] : memref<5128x128xf32, #tpu.memory_space<vmem_shared>> -> memref<320x128xf32, #tpu.memory_space<vmem_shared>>
    tpu.wait_dma2 semaphore(%arg12 : memref<!tpu.dma_semaphore, #tpu.memory_space<semaphore_mem>>) src(%arg5 : memref<320x128xf32, #tpu.memory_space<hbm>>) dst(%dma_wait3A_26 : memref<320x128xf32, #tpu.memory_space<vmem_shared>>)
    %dma_wait3A_27 = arith.constant 0 : i32
    %dma_wait3A_28 = arith.constant 0 : i32
    %dma_wait3A_29 = tpu.memref_slice %arg3[%arg1, %dma_wait3A_27, %dma_wait3A_28] : memref<16x250x80xi32, #tpu.memory_space<hbm>> -> memref<1x250x80xi32, #tpu.memory_space<hbm>>
    %dma_wait3A_30 = tpu.memref_squeeze %dma_wait3A_29 : memref<1x250x80xi32, #tpu.memory_space<hbm>> -> memref<250x80xi32, #tpu.memory_space<hbm>>
    %dma_wait3A_31 = arith.constant 0 : i32
    %dma_wait3A_32 = arith.constant 0 : i32
    %dma_wait3A_33 = tpu.memref_slice %arg3[%arg1, %dma_wait3A_31, %dma_wait3A_32] : memref<16x250x80xi32, #tpu.memory_space<hbm>> -> memref<1x250x80xi32, #tpu.memory_space<hbm>>
    %dma_wait3A_34 = tpu.memref_squeeze %dma_wait3A_33 : memref<1x250x80xi32, #tpu.memory_space<hbm>> -> memref<250x80xi32, #tpu.memory_space<hbm>>
    tpu.wait_dma2 semaphore(%arg12 : memref<!tpu.dma_semaphore, #tpu.memory_space<semaphore_mem>>) src(%dma_wait3A_34 : memref<250x80xi32, #tpu.memory_space<hbm>>) dst(%arg8 : memref<250x80xi32, #tpu.memory_space<vmem>>)
    %barrier3A = arith.constant 0 : index
    tpu.barrier barrier_id(%barrier3A)
    %scan3A = arith.constant 0 : i32
    %scan3A_35 = arith.constant 0 : i32
    %scan3A_36 = arith.constant 250 : i32
    %scan3A_37 = arith.addi %scan3A_35, %scan3A_36 : i32
    %scan3A_38 = arith.constant 1 : i32
    %scan3A_39 = scf.for %scan3A_46 = %scan3A_35 to %scan3A_37 step %scan3A_38 iter_args(%scan3A_47 = %scan3A) -> (i32)  : i32 {
      %rem3A = arith.constant 2 : i32
      %rem3A_48 = arith.remsi %scan3A_46, %rem3A : i32
      %get3A = arith.index_cast %scan3A_46 : i32 to index
      %get3A_49 = arith.constant 0 : index
      %get3A_50 = tpu.vector_load %arg8[%get3A, %get3A_49] {strides = array<i32>} : memref<250x80xi32, #tpu.memory_space<vmem>>, vector<1x16xi32>,
      %get3A_51 = vector.shape_cast %get3A_50 : vector<1x16xi32> to vector<16xi32>
      %sub3A = vector.broadcast %mul3A_0 : i32 to vector<16xi32>
      %sub3A_52 = arith.subi %get3A_51, %sub3A : vector<16xi32>
      %ge3A = arith.constant 0 : i32
      %ge3A_53 = vector.broadcast %ge3A : i32 to vector<16xi32>
      %ge3A_54 = arith.cmpi sge, %sub3A_52, %ge3A_53 : vector<16xi32>
      %lt3A = arith.constant 5120 : i32
      %lt3A_55 = vector.broadcast %lt3A : i32 to vector<16xi32>
      %lt3A_56 = arith.cmpi slt, %sub3A_52, %lt3A_55 : vector<16xi32>
      %and3A = arith.andi %ge3A_54, %lt3A_56 : vector<16xi1>
      %jit3A = arith.constant 5120 : i32
      %broadcast_in_dim3A = vector.broadcast %jit3A : i32 to vector<16xi32>
      %select_n3A = arith.select %and3A, %sub3A_52, %broadcast_in_dim3A : vector<16xi1>, vector<16xi32>
      %swap3A = arith.index_cast %scan3A_46 : i32 to index
      %swap3A_57 = arith.constant 0 : index
      %swap3A_58 = tpu.vector_load %arg8[%swap3A, %swap3A_57] {strides = array<i32>} : memref<250x80xi32, #tpu.memory_space<vmem>>, vector<1x16xi32>,
      %swap3A_59 = vector.shape_cast %swap3A_58 : vector<1x16xi32> to vector<16xi32>
      %swap3A_60 = vector.shape_cast %select_n3A : vector<16xi32> to vector<1x16xi32>
      tpu.vector_store %arg8[%swap3A, %swap3A_57], %swap3A_60 {strides = array<i32>} : memref<250x80xi32, #tpu.memory_space<vmem>>, vector<1x16xi32>,
      %get3A_61 = arith.index_cast %scan3A_46 : i32 to index
      %get3A_62 = arith.constant 16 : index
      %get3A_63 = tpu.vector_load %arg8[%get3A_61, %get3A_62] {strides = array<i32>} : memref<250x80xi32, #tpu.memory_space<vmem>>, vector<1x16xi32>,
      %get3A_64 = vector.shape_cast %get3A_63 : vector<1x16xi32> to vector<16xi32>
      %sub3A_65 = vector.broadcast %mul3A_0 : i32 to vector<16xi32>
      %sub3A_66 = arith.subi %get3A_64, %sub3A_65 : vector<16xi32>
      %ge3A_67 = arith.constant 0 : i32
      %ge3A_68 = vector.broadcast %ge3A_67 : i32 to vector<16xi32>
      %ge3A_69 = arith.cmpi sge, %sub3A_66, %ge3A_68 : vector<16xi32>
      %lt3A_70 = arith.constant 5120 : i32
      %lt3A_71 = vector.broadcast %lt3A_70 : i32 to vector<16xi32>
      %lt3A_72 = arith.cmpi slt, %sub3A_66, %lt3A_71 : vector<16xi32>
      %and3A_73 = arith.andi %ge3A_69, %lt3A_72 : vector<16xi1>
      %jit3A_74 = arith.constant 5120 : i32
      %broadcast_in_dim3A_75 = vector.broadcast %jit3A_74 : i32 to vector<16xi32>
      %select_n3A_76 = arith.select %and3A_73, %sub3A_66, %broadcast_in_dim3A_75 : vector<16xi1>, vector<16xi32>
      %swap3A_77 = arith.index_cast %scan3A_46 : i32 to index
      %swap3A_78 = arith.constant 16 : index
      %swap3A_79 = tpu.vector_load %arg8[%swap3A_77, %swap3A_78] {strides = array<i32>} : memref<250x80xi32, #tpu.memory_space<vmem>>, vector<1x16xi32>,
      %swap3A_80 = vector.shape_cast %swap3A_79 : vector<1x16xi32> to vector<16xi32>
      %swap3A_81 = vector.shape_cast %select_n3A_76 : vector<16xi32> to vector<1x16xi32>
      tpu.vector_store %arg8[%swap3A_77, %swap3A_78], %swap3A_81 {strides = array<i32>} : memref<250x80xi32, #tpu.memory_space<vmem>>, vector<1x16xi32>,
      %get3A_82 = arith.index_cast %scan3A_46 : i32 to index
      %get3A_83 = arith.constant 32 : index
      %get3A_84 = tpu.vector_load %arg8[%get3A_82, %get3A_83] {strides = array<i32>} : memref<250x80xi32, #tpu.memory_space<vmem>>, vector<1x16xi32>,
      %get3A_85 = vector.shape_cast %get3A_84 : vector<1x16xi32> to vector<16xi32>
      %sub3A_86 = vector.broadcast %mul3A_0 : i32 to vector<16xi32>
      %sub3A_87 = arith.subi %get3A_85, %sub3A_86 : vector<16xi32>
      %ge3A_88 = arith.constant 0 : i32
      %ge3A_89 = vector.broadcast %ge3A_88 : i32 to vector<16xi32>
      %ge3A_90 = arith.cmpi sge, %sub3A_87, %ge3A_89 : vector<16xi32>
      %lt3A_91 = arith.constant 5120 : i32
      %lt3A_92 = vector.broadcast %lt3A_91 : i32 to vector<16xi32>
      %lt3A_93 = arith.cmpi slt, %sub3A_87, %lt3A_92 : vector<16xi32>
      %and3A_94 = arith.andi %ge3A_90, %lt3A_93 : vector<16xi1>
      %jit3A_95 = arith.constant 5120 : i32
      %broadcast_in_dim3A_96 = vector.broadcast %jit3A_95 : i32 to vector<16xi32>
      %select_n3A_97 = arith.select %and3A_94, %sub3A_87, %broadcast_in_dim3A_96 : vector<16xi1>, vector<16xi32>
      %swap3A_98 = arith.index_cast %scan3A_46 : i32 to index
      %swap3A_99 = arith.constant 32 : index
      %swap3A_100 = tpu.vector_load %arg8[%swap3A_98, %swap3A_99] {strides = array<i32>} : memref<250x80xi32, #tpu.memory_space<vmem>>, vector<1x16xi32>,
      %swap3A_101 = vector.shape_cast %swap3A_100 : vector<1x16xi32> to vector<16xi32>
      %swap3A_102 = vector.shape_cast %select_n3A_97 : vector<16xi32> to vector<1x16xi32>
      tpu.vector_store %arg8[%swap3A_98, %swap3A_99], %swap3A_102 {strides = array<i32>} : memref<250x80xi32, #tpu.memory_space<vmem>>, vector<1x16xi32>,
      %get3A_103 = arith.index_cast %scan3A_46 : i32 to index
      %get3A_104 = arith.constant 48 : index
      %get3A_105 = tpu.vector_load %arg8[%get3A_103, %get3A_104] {strides = array<i32>} : memref<250x80xi32, #tpu.memory_space<vmem>>, vector<1x16xi32>,
      %get3A_106 = vector.shape_cast %get3A_105 : vector<1x16xi32> to vector<16xi32>
      %sub3A_107 = vector.broadcast %mul3A_0 : i32 to vector<16xi32>
      %sub3A_108 = arith.subi %get3A_106, %sub3A_107 : vector<16xi32>
      %ge3A_109 = arith.constant 0 : i32
      %ge3A_110 = vector.broadcast %ge3A_109 : i32 to vector<16xi32>
      %ge3A_111 = arith.cmpi sge, %sub3A_108, %ge3A_110 : vector<16xi32>
      %lt3A_112 = arith.constant 5120 : i32
      %lt3A_113 = vector.broadcast %lt3A_112 : i32 to vector<16xi32>
      %lt3A_114 = arith.cmpi slt, %sub3A_108, %lt3A_113 : vector<16xi32>
      %and3A_115 = arith.andi %ge3A_111, %lt3A_114 : vector<16xi1>
      %jit3A_116 = arith.constant 5120 : i32
      %broadcast_in_dim3A_117 = vector.broadcast %jit3A_116 : i32 to vector<16xi32>
      %select_n3A_118 = arith.select %and3A_115, %sub3A_108, %broadcast_in_dim3A_117 : vector<16xi1>, vector<16xi32>
      %swap3A_119 = arith.index_cast %scan3A_46 : i32 to index
      %swap3A_120 = arith.constant 48 : index
      %swap3A_121 = tpu.vector_load %arg8[%swap3A_119, %swap3A_120] {strides = array<i32>} : memref<250x80xi32, #tpu.memory_space<vmem>>, vector<1x16xi32>,
      %swap3A_122 = vector.shape_cast %swap3A_121 : vector<1x16xi32> to vector<16xi32>
      %swap3A_123 = vector.shape_cast %select_n3A_118 : vector<16xi32> to vector<1x16xi32>
      tpu.vector_store %arg8[%swap3A_119, %swap3A_120], %swap3A_123 {strides = array<i32>} : memref<250x80xi32, #tpu.memory_space<vmem>>, vector<1x16xi32>,
      %get3A_124 = arith.index_cast %scan3A_46 : i32 to index
      %get3A_125 = arith.constant 64 : index
      %get3A_126 = tpu.vector_load %arg8[%get3A_124, %get3A_125] {strides = array<i32>} : memref<250x80xi32, #tpu.memory_space<vmem>>, vector<1x16xi32>,
      %get3A_127 = vector.shape_cast %get3A_126 : vector<1x16xi32> to vector<16xi32>
      %sub3A_128 = vector.broadcast %mul3A_0 : i32 to vector<16xi32>
      %sub3A_129 = arith.subi %get3A_127, %sub3A_128 : vector<16xi32>
      %ge3A_130 = arith.constant 0 : i32
      %ge3A_131 = vector.broadcast %ge3A_130 : i32 to vector<16xi32>
      %ge3A_132 = arith.cmpi sge, %sub3A_129, %ge3A_131 : vector<16xi32>
      %lt3A_133 = arith.constant 5120 : i32
      %lt3A_134 = vector.broadcast %lt3A_133 : i32 to vector<16xi32>
      %lt3A_135 = arith.cmpi slt, %sub3A_129, %lt3A_134 : vector<16xi32>
      %and3A_136 = arith.andi %ge3A_132, %lt3A_135 : vector<16xi1>
      %jit3A_137 = arith.constant 5120 : i32
      %broadcast_in_dim3A_138 = vector.broadcast %jit3A_137 : i32 to vector<16xi32>
      %select_n3A_139 = arith.select %and3A_136, %sub3A_129, %broadcast_in_dim3A_138 : vector<16xi1>, vector<16xi32>
      %swap3A_140 = arith.index_cast %scan3A_46 : i32 to index
      %swap3A_141 = arith.constant 64 : index
      %swap3A_142 = tpu.vector_load %arg8[%swap3A_140, %swap3A_141] {strides = array<i32>} : memref<250x80xi32, #tpu.memory_space<vmem>>, vector<1x16xi32>,
      %swap3A_143 = vector.shape_cast %swap3A_142 : vector<1x16xi32> to vector<16xi32>
      %swap3A_144 = vector.shape_cast %select_n3A_139 : vector<16xi32> to vector<1x16xi32>
      tpu.vector_store %arg8[%swap3A_140, %swap3A_141], %swap3A_144 {strides = array<i32>} : memref<250x80xi32, #tpu.memory_space<vmem>>, vector<1x16xi32>,
      %dma_wait3A_145 = arith.constant 0 : i32
      %dma_wait3A_146 = arith.constant 0 : i32
      %dma_wait3A_147 = tpu.memref_slice %arg9[%rem3A_48, %dma_wait3A_145, %dma_wait3A_146] : memref<2x80x128xf32, #tpu.memory_space<vmem>> -> memref<1x80x128xf32, #tpu.memory_space<vmem>>
      %dma_wait3A_148 = tpu.memref_squeeze %dma_wait3A_147 : memref<1x80x128xf32, #tpu.memory_space<vmem>> -> memref<80x128xf32, #tpu.memory_space<vmem>>
      %dma_wait3A_149 = arith.constant 0 : i32
      %dma_wait3A_150 = tpu.memref_slice %arg7[%scan3A_46, %dma_wait3A_149] : memref<250x80xi32, #tpu.memory_space<vmem>> -> memref<1x80xi32, #tpu.memory_space<vmem>>
      %dma_wait3A_151 = tpu.memref_squeeze %dma_wait3A_150 : memref<1x80xi32, #tpu.memory_space<vmem>> -> memref<80xi32, #tpu.memory_space<vmem>>
      %dma_wait3A_152 = arith.constant 0 : i32
      %dma_wait3A_153 = arith.constant 0 : i32
      %dma_wait3A_154 = tpu.memref_slice %arg4[%dma_wait3A_152, %dma_wait3A_153] : memref<10000x128xf32, #tpu.memory_space<hbm>> -> memref<10000x128xf32, #tpu.memory_space<hbm>>
      tpu.wait_indirect_dma semaphore(%arg11 : memref<!tpu.dma_semaphore, #tpu.memory_space<semaphore_mem>>) src(%dma_wait3A_154 : memref<10000x128xf32, #tpu.memory_space<hbm>>) dst(%dma_wait3A_148 : memref<80x128xf32, #tpu.memory_space<vmem>>)
      %add3A = arith.constant 1 : i32
      %add3A_155 = arith.addi %scan3A_46, %add3A : i32
      %lt3A_156 = arith.constant 250 : i32
      %lt3A_157 = arith.cmpi slt, %add3A_155, %lt3A_156 : i32
      %convert_element_type3A = arith.extui %lt3A_157 : i1 to i32
      %cond3A = arith.constant 0 : i32
      %cond3A_158 = arith.cmpi ne, %convert_element_type3A, %cond3A : i32
      scf.if %cond3A_158 {
        %add3A_160 = arith.constant 1 : i32
        %add3A_161 = arith.addi %scan3A_46, %add3A_160 : i32
        %add3A_162 = arith.constant 1 : i32
        %add3A_163 = arith.addi %scan3A_46, %add3A_162 : i32
        %rem3A_164 = arith.constant 2 : i32
        %rem3A_165 = arith.remsi %add3A_163, %rem3A_164 : i32
        %dma_start3A_166 = arith.constant 0 : i32
        %dma_start3A_167 = arith.constant 0 : i32
        %dma_start3A_168 = tpu.memref_slice %arg9[%rem3A_165, %dma_start3A_166, %dma_start3A_167] : memref<2x80x128xf32, #tpu.memory_space<vmem>> -> memref<1x80x128xf32, #tpu.memory_space<vmem>>
        %dma_start3A_169 = tpu.memref_squeeze %dma_start3A_168 : memref<1x80x128xf32, #tpu.memory_space<vmem>> -> memref<80x128xf32, #tpu.memory_space<vmem>>
        %dma_start3A_170 = arith.constant 0 : i32
        %dma_start3A_171 = tpu.memref_slice %arg7[%add3A_161, %dma_start3A_170] : memref<250x80xi32, #tpu.memory_space<vmem>> -> memref<1x80xi32, #tpu.memory_space<vmem>>
        %dma_start3A_172 = tpu.memref_squeeze %dma_start3A_171 : memref<1x80xi32, #tpu.memory_space<vmem>> -> memref<80xi32, #tpu.memory_space<vmem>>
        %dma_start3A_173 = arith.constant 0 : i32
        %dma_start3A_174 = arith.constant 0 : i32
        %dma_start3A_175 = tpu.memref_slice %arg4[%dma_start3A_173, %dma_start3A_174] : memref<10000x128xf32, #tpu.memory_space<hbm>> -> memref<10000x128xf32, #tpu.memory_space<hbm>>
        tpu.enqueue_indirect_dma source(%dma_start3A_175 : memref<10000x128xf32, #tpu.memory_space<hbm>>) target(%dma_start3A_169 : memref<80x128xf32, #tpu.memory_space<vmem>>) offsets(%dma_start3A_172 : memref<80xi32, #tpu.memory_space<vmem>>) semaphore(%arg11 : memref<!tpu.dma_semaphore, #tpu.memory_space<semaphore_mem>>)
      } else {
      }
      "tpu.region"() ({
        %run_scoped3A = tpu.sem_alloc : memref<!tpu.dma_semaphore, #tpu.memory_space<semaphore_mem>>
        %dma_start3A_160 = arith.constant 0 : i32
        %dma_start3A_161 = arith.constant 0 : i32
        %dma_start3A_162 = tpu.memref_slice %arg9[%rem3A_48, %dma_start3A_160, %dma_start3A_161] : memref<2x80x128xf32, #tpu.memory_space<vmem>> -> memref<1x80x128xf32, #tpu.memory_space<vmem>>
        %dma_start3A_163 = tpu.memref_squeeze %dma_start3A_162 : memref<1x80x128xf32, #tpu.memory_space<vmem>> -> memref<80x128xf32, #tpu.memory_space<vmem>>
        %dma_start3A_164 = arith.constant 0 : i32
        %dma_start3A_165 = tpu.memref_slice %arg8[%scan3A_46, %dma_start3A_164] : memref<250x80xi32, #tpu.memory_space<vmem>> -> memref<1x80xi32, #tpu.memory_space<vmem>>
        %dma_start3A_166 = tpu.memref_squeeze %dma_start3A_165 : memref<1x80xi32, #tpu.memory_space<vmem>> -> memref<80xi32, #tpu.memory_space<vmem>>
        %dma_start3A_167 = arith.constant 0 : i32
        %dma_start3A_168 = arith.constant 0 : i32
        %dma_start3A_169 = tpu.memref_slice %arg10[%dma_start3A_167, %dma_start3A_168] : memref<5128x128xf32, #tpu.memory_space<vmem_shared>> -> memref<5128x128xf32, #tpu.memory_space<vmem_shared>>
        tpu.enqueue_indirect_dma source(%dma_start3A_163 : memref<80x128xf32, #tpu.memory_space<vmem>>) target(%dma_start3A_169 : memref<5128x128xf32, #tpu.memory_space<vmem_shared>>) offsets(%dma_start3A_166 : memref<80xi32, #tpu.memory_space<vmem>>) semaphore(%run_scoped3A : memref<!tpu.dma_semaphore, #tpu.memory_space<semaphore_mem>>) {add = true}
        %dma_wait3A_170 = arith.constant 0 : i32
        %dma_wait3A_171 = arith.constant 0 : i32
        %dma_wait3A_172 = tpu.memref_slice %arg9[%rem3A_48, %dma_wait3A_170, %dma_wait3A_171] : memref<2x80x128xf32, #tpu.memory_space<vmem>> -> memref<1x80x128xf32, #tpu.memory_space<vmem>>
        %dma_wait3A_173 = tpu.memref_squeeze %dma_wait3A_172 : memref<1x80x128xf32, #tpu.memory_space<vmem>> -> memref<80x128xf32, #tpu.memory_space<vmem>>
        %dma_wait3A_174 = arith.constant 0 : i32
        %dma_wait3A_175 = tpu.memref_slice %arg8[%scan3A_46, %dma_wait3A_174] : memref<250x80xi32, #tpu.memory_space<vmem>> -> memref<1x80xi32, #tpu.memory_space<vmem>>
        %dma_wait3A_176 = tpu.memref_squeeze %dma_wait3A_175 : memref<1x80xi32, #tpu.memory_space<vmem>> -> memref<80xi32, #tpu.memory_space<vmem>>
        %dma_wait3A_177 = arith.constant 0 : i32
        %dma_wait3A_178 = arith.constant 0 : i32
        %dma_wait3A_179 = tpu.memref_slice %arg10[%dma_wait3A_177, %dma_wait3A_178] : memref<5128x128xf32, #tpu.memory_space<vmem_shared>> -> memref<5128x128xf32, #tpu.memory_space<vmem_shared>>
        tpu.wait_indirect_dma semaphore(%run_scoped3A : memref<!tpu.dma_semaphore, #tpu.memory_space<semaphore_mem>>) src(%dma_wait3A_173 : memref<80x128xf32, #tpu.memory_space<vmem>>) dst(%dma_wait3A_179 : memref<5128x128xf32, #tpu.memory_space<vmem_shared>>)
        tpu.yield
      }) : () -> ()
      %scan3A_159 = arith.constant 0 : i32
      scf.yield %scan3A_159 : i32
    }
    %scan3A_40 = arith.constant 250 : i32
    %barrier3A_41 = arith.constant 0 : index
    tpu.barrier barrier_id(%barrier3A_41)
    %mul3A_42 = arith.constant 320 : i32
    %mul3A_43 = arith.muli %arg1, %mul3A_42 : i32
    %mul3A_44 = arith.constant 320 : i32
    %mul3A_45 = arith.muli %arg1, %mul3A_44 : i32
    "tpu.region"() ({
      %run_scoped3A = tpu.sem_alloc : memref<!tpu.dma_semaphore, #tpu.memory_space<semaphore_mem>>
      %dma_start3A_46 = arith.constant 0 : i32
      %dma_start3A_47 = tpu.memref_slice %arg6[%arg0, %mul3A_45, %dma_start3A_46] : memref<2x5120x128xf32, #tpu.memory_space<hbm>> -> memref<1x320x128xf32, #tpu.memory_space<hbm>>
      %dma_start3A_48 = tpu.memref_squeeze %dma_start3A_47 : memref<1x320x128xf32, #tpu.memory_space<hbm>> -> memref<320x128xf32, #tpu.memory_space<hbm>>
      %dma_start3A_49 = arith.constant 0 : i32
      %dma_start3A_50 = tpu.memref_slice %arg10[%mul3A_43, %dma_start3A_49] : memref<5128x128xf32, #tpu.memory_space<vmem_shared>> -> memref<320x128xf32, #tpu.memory_space<vmem_shared>>
      tpu.enqueue_dma source(%dma_start3A_50 : memref<320x128xf32, #tpu.memory_space<vmem_shared>>) target(%dma_start3A_48 : memref<320x128xf32, #tpu.memory_space<hbm>>) target_semaphore(%run_scoped3A : memref<!tpu.dma_semaphore, #tpu.memory_space<semaphore_mem>>)
      %dma_wait3A_51 = arith.constant 0 : i32
      %dma_wait3A_52 = tpu.memref_slice %arg6[%arg0, %mul3A_45, %dma_wait3A_51] : memref<2x5120x128xf32, #tpu.memory_space<hbm>> -> memref<1x320x128xf32, #tpu.memory_space<hbm>>
      %dma_wait3A_53 = tpu.memref_squeeze %dma_wait3A_52 : memref<1x320x128xf32, #tpu.memory_space<hbm>> -> memref<320x128xf32, #tpu.memory_space<hbm>>
      %dma_wait3A_54 = arith.constant 0 : i32
      %dma_wait3A_55 = tpu.memref_slice %arg10[%mul3A_43, %dma_wait3A_54] : memref<5128x128xf32, #tpu.memory_space<vmem_shared>> -> memref<320x128xf32, #tpu.memory_space<vmem_shared>>
      tpu.wait_dma2 semaphore(%run_scoped3A : memref<!tpu.dma_semaphore, #tpu.memory_space<semaphore_mem>>) src(%dma_wait3A_55 : memref<320x128xf32, #tpu.memory_space<vmem_shared>>) dst(%dma_wait3A_53 : memref<320x128xf32, #tpu.memory_space<hbm>>)
      tpu.yield
    }) : () -> ()
    return
  }
}

module attributes {stable_mosaic.version = 14 : i64} {
  func.func @_tc_body(%arg0: i32, %arg1: memref<2000x128xf32, #tpu.memory_space<vmem>>, %arg2: memref<2000x128xf32, #tpu.memory_space<vmem>>, %arg3: memref<1x1x2000xi32, #tpu.memory_space<vmem>>, %arg4: memref<128x128xf32, #tpu.memory_space<vmem>>, %arg5: memref<1x128xf32, #tpu.memory_space<vmem>>, %arg6: memref<128x128xf32, #tpu.memory_space<vmem>>, %arg7: memref<1x128xf32, #tpu.memory_space<vmem>>, %arg8: memref<128x128xf32, #tpu.memory_space<vmem>>, %arg9: memref<1x128xf32, #tpu.memory_space<vmem>>, %arg10: memref<256x128xf32, #tpu.memory_space<vmem>>, %arg11: memref<256x128xf32, #tpu.memory_space<vmem>>, %arg12: memref<256x128xf32, #tpu.memory_space<vmem>>) attributes {dimension_semantics = [#tpu.dimension_semantics<arbitrary>], iteration_bounds = array<i64: 5>, scalar_prefetch = 0 : i64, scratch_operands = 2 : i64, tpu.core_type = #tpu.core_type<tc>, window_params = [{transform_indices = @transform_0, window_bounds = array<i64: 2000, 128>}, {transform_indices = @transform_1, window_bounds = array<i64: 2000, 128>}, {transform_indices = @transform_2, window_bounds = array<i64: 1, 1, 2000>}, {pipeline_mode = #tpu.pipeline_mode<synchronous>, transform_indices = @transform_3, window_bounds = array<i64: 128, 128>}, {pipeline_mode = #tpu.pipeline_mode<synchronous>, transform_indices = @transform_4, window_bounds = array<i64: 1, 128>}, {pipeline_mode = #tpu.pipeline_mode<synchronous>, transform_indices = @transform_5, window_bounds = array<i64: 128, 128>}, {pipeline_mode = #tpu.pipeline_mode<synchronous>, transform_indices = @transform_6, window_bounds = array<i64: 1, 128>}, {pipeline_mode = #tpu.pipeline_mode<synchronous>, transform_indices = @transform_7, window_bounds = array<i64: 128, 128>}, {pipeline_mode = #tpu.pipeline_mode<synchronous>, transform_indices = @transform_8, window_bounds = array<i64: 1, 128>}, {pipeline_mode = #tpu.pipeline_mode<synchronous>, transform_indices = @transform_9, window_bounds = array<i64: 256, 128>}]} {
    %eq3A = arith.constant 0 : i32
    %eq3A_0 = arith.cmpi eq, %arg0, %eq3A : i32
    %convert_element_type3A = arith.extui %eq3A_0 : i1 to i32
    %cond3A = arith.constant 0 : i32
    %cond3A_1 = arith.cmpi ne, %convert_element_type3A, %cond3A : i32
    scf.if %cond3A_1 {
      %broadcast_in_dim3A_52 = arith.constant 0.000000e+00 : f32
      %broadcast_in_dim3A_53 = vector.broadcast %broadcast_in_dim3A_52 : f32 to vector<256x128xf32>
      %swap3A_54 = arith.constant 0 : index
      %swap3A_55 = arith.constant 0 : index
      %swap3A_56 = vector.load %arg11[%swap3A_54, %swap3A_55] : memref<256x128xf32, #tpu.memory_space<vmem>>, vector<256x128xf32>
      tpu.vector_store %arg11[%swap3A_54, %swap3A_55], %broadcast_in_dim3A_53 {strides = array<i32>} : memref<256x128xf32, #tpu.memory_space<vmem>>, vector<256x128xf32>,
      %broadcast_in_dim3A_57 = arith.constant 0.000000e+00 : f32
      %broadcast_in_dim3A_58 = vector.broadcast %broadcast_in_dim3A_57 : f32 to vector<256x128xf32>
      %swap3A_59 = arith.constant 0 : index
      %swap3A_60 = arith.constant 0 : index
      %swap3A_61 = vector.load %arg12[%swap3A_59, %swap3A_60] : memref<256x128xf32, #tpu.memory_space<vmem>>, vector<256x128xf32>
      tpu.vector_store %arg12[%swap3A_59, %swap3A_60], %broadcast_in_dim3A_58 {strides = array<i32>} : memref<256x128xf32, #tpu.memory_space<vmem>>, vector<256x128xf32>,
    } else {
    }
    %get3A = arith.constant 0 : index
    %get3A_2 = arith.constant 0 : index
    %get3A_3 = vector.load %arg1[%get3A, %get3A_2] : memref<2000x128xf32, #tpu.memory_space<vmem>>, vector<2000x128xf32>
    %get3A_4 = arith.constant 0 : index
    %get3A_5 = arith.constant 0 : index
    %get3A_6 = vector.load %arg2[%get3A_4, %get3A_5] : memref<2000x128xf32, #tpu.memory_space<vmem>>, vector<2000x128xf32>
    %add3A = arith.addf %get3A_3, %get3A_6 : vector<2000x128xf32>
    %get3A_7 = arith.constant 0 : index
    %get3A_8 = arith.constant 0 : index
    %get3A_9 = vector.load %arg4[%get3A_7, %get3A_8] : memref<128x128xf32, #tpu.memory_space<vmem>>, vector<128x128xf32>
    %dot_general3A = arith.constant dense<0.000000e+00> : vector<2000x128xf32>
    %dot_general3A_10 = tpu.matmul %add3A, %get3A_9, %dot_general3A {dimension_numbers = #tpu.dot_dimension_numbers<[1], [0], [0], [1], [0, 0, 1, 1], [], []>, transpose_lhs_hint = false} : vector<2000x128xf32>, vector<128x128xf32>, vector<2000x128xf32> -> vector<2000x128xf32>
    %get3A_11 = arith.constant 0 : index
    %get3A_12 = arith.constant 0 : index
    %get3A_13 = vector.load %arg5[%get3A_11, %get3A_12] : memref<1x128xf32, #tpu.memory_space<vmem>>, vector<1x128xf32>
    %add3A_14 = vector.broadcast %get3A_13 : vector<1x128xf32> to vector<2000x128xf32>
    %add3A_15 = arith.addf %dot_general3A_10, %add3A_14 : vector<2000x128xf32>
    %max3A = arith.constant 0.000000e+00 : f32
    %max3A_16 = vector.broadcast %max3A : f32 to vector<2000x128xf32>
    %max3A_17 = arith.maximumf %add3A_15, %max3A_16 : vector<2000x128xf32>
    %get3A_18 = arith.constant 0 : index
    %get3A_19 = arith.constant 0 : index
    %get3A_20 = arith.constant 0 : index
    %get3A_21 = vector.load %arg3[%get3A_18, %get3A_19, %get3A_20] : memref<1x1x2000xi32, #tpu.memory_space<vmem>>, vector<1x1x2000xi32>
    %get3A_22 = vector.shape_cast %get3A_21 : vector<1x1x2000xi32> to vector<2000xi32>
    %iota3A = tpu.iota {dimensions = array<i32: 0>} : vector<256x2000xi32>
    %broadcast_in_dim3A = vector.shape_cast %get3A_22 : vector<2000xi32> to vector<1x2000xi32>
    %eq3A_23 = vector.broadcast %broadcast_in_dim3A : vector<1x2000xi32> to vector<256x2000xi32>
    %eq3A_24 = arith.cmpi eq, %iota3A, %eq3A_23 : vector<256x2000xi32>
    %jit3A = arith.constant 1.000000e+00 : f32
    %jit3A_25 = arith.constant 0.000000e+00 : f32
    %broadcast_in_dim3A_26 = vector.broadcast %jit3A : f32 to vector<256x2000xf32>
    %broadcast_in_dim3A_27 = vector.broadcast %jit3A_25 : f32 to vector<256x2000xf32>
    %select_n3A = arith.select %eq3A_24, %broadcast_in_dim3A_26, %broadcast_in_dim3A_27 : vector<256x2000xi1>, vector<256x2000xf32>
    %get3A_28 = arith.constant 0 : index
    %get3A_29 = arith.constant 0 : index
    %get3A_30 = vector.load %arg11[%get3A_28, %get3A_29] : memref<256x128xf32, #tpu.memory_space<vmem>>, vector<256x128xf32>
    %dot_general3A_31 = arith.constant dense<0.000000e+00> : vector<256x128xf32>
    %dot_general3A_32 = tpu.matmul %select_n3A, %max3A_17, %dot_general3A_31 {dimension_numbers = #tpu.dot_dimension_numbers<[1], [0], [0], [1], [0, 0, 1, 1], [], []>, transpose_lhs_hint = false} : vector<256x2000xf32>, vector<2000x128xf32>, vector<256x128xf32> -> vector<256x128xf32>
    %add3A_33 = arith.addf %get3A_30, %dot_general3A_32 : vector<256x128xf32>
    %swap3A = arith.constant 0 : index
    %swap3A_34 = arith.constant 0 : index
    %swap3A_35 = vector.load %arg11[%swap3A, %swap3A_34] : memref<256x128xf32, #tpu.memory_space<vmem>>, vector<256x128xf32>
    tpu.vector_store %arg11[%swap3A, %swap3A_34], %add3A_33 {strides = array<i32>} : memref<256x128xf32, #tpu.memory_space<vmem>>, vector<256x128xf32>,
    %get3A_36 = arith.constant 0 : index
    %get3A_37 = arith.constant 0 : index
    %get3A_38 = vector.load %arg12[%get3A_36, %get3A_37] : memref<256x128xf32, #tpu.memory_space<vmem>>, vector<256x128xf32>
    %reduce_sum3A = arith.constant dense<0.000000e+00> : vector<256xf32>
    %reduce_sum3A_39 = vector.multi_reduction <add>, %select_n3A, %reduce_sum3A [1] : vector<256x2000xf32> to vector<256xf32>
    %broadcast_in_dim3A_40 = vector.shape_cast %reduce_sum3A_39 : vector<256xf32> to vector<256x1xf32>
    %broadcast_in_dim3A_41 = vector.shape_cast %broadcast_in_dim3A_40 : vector<256x1xf32> to vector<256x1xf32>
    %broadcast_in_dim3A_42 = vector.broadcast %broadcast_in_dim3A_41 : vector<256x1xf32> to vector<256x128xf32>
    %add3A_43 = arith.addf %get3A_38, %broadcast_in_dim3A_42 : vector<256x128xf32>
    %swap3A_44 = arith.constant 0 : index
    %swap3A_45 = arith.constant 0 : index
    %swap3A_46 = vector.load %arg12[%swap3A_44, %swap3A_45] : memref<256x128xf32, #tpu.memory_space<vmem>>, vector<256x128xf32>
    tpu.vector_store %arg12[%swap3A_44, %swap3A_45], %add3A_43 {strides = array<i32>} : memref<256x128xf32, #tpu.memory_space<vmem>>, vector<256x128xf32>,
    %eq3A_47 = arith.constant 4 : i32
    %eq3A_48 = arith.cmpi eq, %arg0, %eq3A_47 : i32
    %convert_element_type3A_49 = arith.extui %eq3A_48 : i1 to i32
    %cond3A_50 = arith.constant 0 : i32
    %cond3A_51 = arith.cmpi ne, %convert_element_type3A_49, %cond3A_50 : i32
    scf.if %cond3A_51 {
      %get3A_52 = arith.constant 0 : index
      %get3A_53 = arith.constant 0 : index
      %get3A_54 = vector.load %arg11[%get3A_52, %get3A_53] : memref<256x128xf32, #tpu.memory_space<vmem>>, vector<256x128xf32>
      %get3A_55 = arith.constant 0 : index
      %get3A_56 = arith.constant 0 : index
      %get3A_57 = vector.load %arg12[%get3A_55, %get3A_56] : memref<256x128xf32, #tpu.memory_space<vmem>>, vector<256x128xf32>
      %max3A_58 = arith.constant 1.000000e+00 : f32
      %max3A_59 = vector.broadcast %max3A_58 : f32 to vector<256x128xf32>
      %max3A_60 = arith.maximumf %get3A_57, %max3A_59 : vector<256x128xf32>
      %div3A = arith.divf %get3A_54, %max3A_60 : vector<256x128xf32>
      %get3A_61 = arith.constant 0 : index
      %get3A_62 = arith.constant 0 : index
      %get3A_63 = vector.load %arg6[%get3A_61, %get3A_62] : memref<128x128xf32, #tpu.memory_space<vmem>>, vector<128x128xf32>
      %dot_general3A_64 = arith.constant dense<0.000000e+00> : vector<256x128xf32>
      %dot_general3A_65 = tpu.matmul %div3A, %get3A_63, %dot_general3A_64 {dimension_numbers = #tpu.dot_dimension_numbers<[1], [0], [0], [1], [0, 0, 1, 1], [], []>, transpose_lhs_hint = false} : vector<256x128xf32>, vector<128x128xf32>, vector<256x128xf32> -> vector<256x128xf32>
      %get3A_66 = arith.constant 0 : index
      %get3A_67 = arith.constant 0 : index
      %get3A_68 = vector.load %arg7[%get3A_66, %get3A_67] : memref<1x128xf32, #tpu.memory_space<vmem>>, vector<1x128xf32>
      %add3A_69 = vector.broadcast %get3A_68 : vector<1x128xf32> to vector<256x128xf32>
      %add3A_70 = arith.addf %dot_general3A_65, %add3A_69 : vector<256x128xf32>
      %max3A_71 = arith.constant 0.000000e+00 : f32
      %max3A_72 = vector.broadcast %max3A_71 : f32 to vector<256x128xf32>
      %max3A_73 = arith.maximumf %add3A_70, %max3A_72 : vector<256x128xf32>
      %get3A_74 = arith.constant 0 : index
      %get3A_75 = arith.constant 0 : index
      %get3A_76 = vector.load %arg8[%get3A_74, %get3A_75] : memref<128x128xf32, #tpu.memory_space<vmem>>, vector<128x128xf32>
      %dot_general3A_77 = arith.constant dense<0.000000e+00> : vector<256x128xf32>
      %dot_general3A_78 = tpu.matmul %max3A_73, %get3A_76, %dot_general3A_77 {dimension_numbers = #tpu.dot_dimension_numbers<[1], [0], [0], [1], [0, 0, 1, 1], [], []>, transpose_lhs_hint = false} : vector<256x128xf32>, vector<128x128xf32>, vector<256x128xf32> -> vector<256x128xf32>
      %get3A_79 = arith.constant 0 : index
      %get3A_80 = arith.constant 0 : index
      %get3A_81 = vector.load %arg9[%get3A_79, %get3A_80] : memref<1x128xf32, #tpu.memory_space<vmem>>, vector<1x128xf32>
      %add3A_82 = vector.broadcast %get3A_81 : vector<1x128xf32> to vector<256x128xf32>
      %add3A_83 = arith.addf %dot_general3A_78, %add3A_82 : vector<256x128xf32>
      %add3A_84 = arith.addf %add3A_83, %div3A : vector<256x128xf32>
      %swap3A_85 = arith.constant 0 : index
      %swap3A_86 = arith.constant 0 : index
      %swap3A_87 = vector.load %arg10[%swap3A_85, %swap3A_86] : memref<256x128xf32, #tpu.memory_space<vmem>>, vector<256x128xf32>
      tpu.vector_store %arg10[%swap3A_85, %swap3A_86], %add3A_84 {strides = array<i32>} : memref<256x128xf32, #tpu.memory_space<vmem>>, vector<256x128xf32>,
    } else {
    }
    return
  }
  func.func @transform_0(%arg0: i32) -> (i32, i32) {
    %c0_i32 = arith.constant 0 : i32
    %c0_i32_0 = arith.constant 0 : i32
    return %arg0, %c0_i32 : i32, i32
  }
  func.func @transform_1(%arg0: i32) -> (i32, i32) {
    %c0_i32 = arith.constant 0 : i32
    %c0_i32_0 = arith.constant 0 : i32
    return %arg0, %c0_i32 : i32, i32
  }
  func.func @transform_2(%arg0: i32) -> (i32, i32, i32) {
    %c0_i32 = arith.constant 0 : i32
    %c0_i32_0 = arith.constant 0 : i32
    %c0_i32_1 = arith.constant 0 : i32
    return %arg0, %c0_i32, %c0_i32_0 : i32, i32, i32
  }
  func.func @transform_3(%arg0: i32) -> (i32, i32) {
    %c0_i32 = arith.constant 0 : i32
    %c0_i32_0 = arith.constant 0 : i32
    %c0_i32_1 = arith.constant 0 : i32
    return %c0_i32, %c0_i32_0 : i32, i32
  }
  func.func @transform_4(%arg0: i32) -> (i32, i32) {
    %c0_i32 = arith.constant 0 : i32
    %c0_i32_0 = arith.constant 0 : i32
    %c0_i32_1 = arith.constant 0 : i32
    return %c0_i32, %c0_i32_0 : i32, i32
  }
  func.func @transform_5(%arg0: i32) -> (i32, i32) {
    %c0_i32 = arith.constant 0 : i32
    %c0_i32_0 = arith.constant 0 : i32
    %c0_i32_1 = arith.constant 0 : i32
    return %c0_i32, %c0_i32_0 : i32, i32
  }
  func.func @transform_6(%arg0: i32) -> (i32, i32) {
    %c0_i32 = arith.constant 0 : i32
    %c0_i32_0 = arith.constant 0 : i32
    %c0_i32_1 = arith.constant 0 : i32
    return %c0_i32, %c0_i32_0 : i32, i32
  }
  func.func @transform_7(%arg0: i32) -> (i32, i32) {
    %c0_i32 = arith.constant 0 : i32
    %c0_i32_0 = arith.constant 0 : i32
    %c0_i32_1 = arith.constant 0 : i32
    return %c0_i32, %c0_i32_0 : i32, i32
  }
  func.func @transform_8(%arg0: i32) -> (i32, i32) {
    %c0_i32 = arith.constant 0 : i32
    %c0_i32_0 = arith.constant 0 : i32
    %c0_i32_1 = arith.constant 0 : i32
    return %c0_i32, %c0_i32_0 : i32, i32
  }
  func.func @transform_9(%arg0: i32) -> (i32, i32) {
    %c0_i32 = arith.constant 0 : i32
    %c0_i32_0 = arith.constant 0 : i32
    %c0_i32_1 = arith.constant 0 : i32
    return %c0_i32, %c0_i32_0 : i32, i32
  }
}

</mosaic_0001>

<sc_bundles>
// kernel: kernel.4.cloned.1.call-start
scs
__scs_entry_jumppad:
0x0: {  	(pc) =	sbr.rel $0x88, $3  }
0x1: {  	(tag) =	ssettag $0x0;
	lr =	simm.s32 $0x1  }
0x2: {  	[smem:$0x3F98] =	sst lr;
	_ =	strace $0xD0000000  }
0x3: {  	_ = 	snop  }
0x4: {  	_ = 	snop  }
0x5: {  	_ = 	snop  }
0x6: {  	_ = 	snop  }
0x7: {  	_ = 	snop  }
__scs_overlays_trampoline_lowered:
0x8: {  	[smem:$0x3FA7] =	sst s0  }
0x9: {  	[smem:$0x3FA8] =	sst s1  }
0xa: {  	[smem:$0x3FA9] =	sst s2  }
0xb: {  	[smem:$0x3FAA] =	sst s3  }
0xc: {  	[smem:$0x3FAB] =	sst s4  }
0xd: {  	[smem:$0x3FAC] =	sst s5  }
0xe: {  	[smem:$0x3FAD] =	sst s6  }
0xf: {  	[smem:$0x3FAE] =	sst s7  }
0x10: {  	[smem:$0x3FAF] =	sst s8  }
0x11: {  	[smem:$0x3FB0] =	sst s9;
	s0 =	simm.s32 @!p0 $0x0  }
0x12: {  	s1 =	sld [smem:$0x3F96];
	s0 =	simm.s32 @p0 $0x1  }
0x13: {  	[smem:$0x3FB1] =	sst s0;
	s0 =	simm.s32 @!p1 $0x0  }
0x14: {  	s2 =	sld [smem:$0x3F95];
	s0 =	simm.s32 @p1 $0x1  }
0x15: {  	[smem:$0x3FB2] =	sst s0;
	s0 =	simm.s32 @!p2 $0x0  }
0x16: {  	s3 =	sld [smem:$0x3FDB];
	s0 =	simm.s32 @p2 $0x1  }
0x17: {  	s4 =	simm.s32 $0x1BF5;
	[smem:$0x3FB4] =	sst s0  }
0x18: {  	s0 =	sld [smem:$0x3F97];
	_ =	swait.ge [sflag:s4], $0x0  }
0x19: {  	s7 =	sld [smem:$0x3F98]  }
0x1a: {  	s8 =	sadd.s32 $0xFFFFE003, lr  }
0x1b: {  	s9 =	sadd.s32 $0xFFFFFEF7, lr;
	s5 =	simm.s32 $0xFFFFFFFF;
	p2 =	slt.u32 s8, $0xFFFFF086  }
0x1c: {  	p1 =	slt.u32 s9, $0xF7A;
	s5 =	simm.s32 @!p2 $0x0  }
0x1d: {  	s5 =	simm.s32 @p1 $0x1;
	p0 =	seq.s32 s7, s2  }
0x1e: {  	s7 =	smul.u32 @!p0 $0xF7A, s2;
	p2 =	seq.s32 @!p0 s5, $0x0  }
0x1f: {  	s9 =	smul.u32 $0xF7A, s1;
	s8 =	simm.s32 @!p0 $0x1BF5;
	p2 =	por !p2, p0  }
0x20: {  	[sflag:s8] =	ssyncset.s32 @!p0 $0xFFFFF086;
	s6 =	sadd.s32 @!p0 s3, s7;
	s7 =	simm.s32 @!p0 $0x108  }
0x21: {  	s3 =	sadd.s32 s3, s9;
	s6 =	sadd.s32 @!p0 $0x88, s6;
	s7 =	simm.s32 @p2 $0x1082  }
0x22: {  	[simem:s7], [sflag:s8] =	dma.local @!p0 [hbm:s6], $0xF7A  }
0x23: {  	s9 =	sor.u32 $0xD0000000, s2;
	s6 =	simm.s32 $0x108;
	_ =	swait.ge @!p0 [sflag:s8], $0x0  }
0x24: {  	s3 =	sadd.s32 $0x88, s3;
	s6 =	simm.s32 @!p1 $0x1082;
	[sflag:s4] =	ssyncset.s32 $0xFFFFF086  }
0x25: {  	[simem:s6], [sflag:s4] =	dma.local [hbm:s3], $0xF7A  }
0x26: {  	[smem:$0x3F98] =	sst s1;
	(tag) =	ssettag s2;
	_ =	strace s9  }
0x27: {  	s1 =	sld [smem:$0x3FA8]  }
0x28: {  	s2 =	sld [smem:$0x3FA9]  }
0x29: {  	s4 =	sld [smem:$0x3FAB]  }
0x2a: {  	p0 =	seq.s32 s5, $0x0;
	s5 =	sld [smem:$0x3FAC]  }
0x2b: {  	s6 =	sld [smem:$0x3FAD]  }
0x2c: {  	s7 =	sld [smem:$0x3FAE]  }
0x2d: {  	s3 =	simm.s32 $0x108;
	s8 =	sld [smem:$0x3FAF]  }
0x2e: {  	s3 =	simm.s32 @!p0 $0x1082;
	s9 =	sld [smem:$0x3FB0]  }
0x2f: {  	lr =	sadd.s32 s0, s3;
	s0 =	sld [smem:$0x3FA7]  }
0x30: {  	s3 =	sld [smem:$0x3FAA]  }
0x31: {  	[smem:$0x3FB3] =	sst s10  }
0x32: {  	s10 =	sld [smem:$0x3FB1];
	_ =	sdelay $0x3  }
0x33: {  	p0 =	seq.s32 s10, $0x1;
	s10 =	sld [smem:$0x3FB3];
	_ =	sdelay $0x3  }
0x34: {  	[smem:$0x3FB3] =	sst s10  }
0x35: {  	s10 =	sld [smem:$0x3FB2];
	_ =	sdelay $0x3  }
0x36: {  	p1 =	seq.s32 s10, $0x1;
	s10 =	sld [smem:$0x3FB3];
	_ =	sdelay $0x3  }
0x37: {  	[smem:$0x3FB3] =	sst s10  }
0x38: {  	s10 =	sld [smem:$0x3FB4]  }
0x39: {  	_ = 	snop;
	(pc) =	sbr.ind lr, $3  }
0x3a: {  	_ = 	snop  }
0x3b: {  	_ = 	snop  }
0x3c: {  	p2 =	seq.s32 s10, $0x1;
	s10 =	sld [smem:$0x3FB3]  }
0x3d: {  	_ =	shalt  }
0x3e: {  	_ =	shalt  }
0x3f: {  	_ =	shalt  }
0x40: {  	_ =	shalt  }
0x41: {  	_ =	shalt  }
0x42: {  	_ =	shalt  }
0x43: {  	_ =	shalt  }
0x44: {  	_ =	shalt  }
0x45: {  	_ =	shalt  }
0x46: {  	_ =	shalt  }
0x47: {  	_ =	shalt  }
0x48: {  	_ =	shalt  }
0x49: {  	_ =	shalt  }
0x4a: {  	_ =	shalt  }
0x4b: {  	_ =	shalt  }
0x4c: {  	_ =	shalt  }
0x4d: {  	_ =	shalt  }
0x4e: {  	_ =	shalt  }
0x4f: {  	_ =	shalt  }
0x50: {  	_ =	shalt  }
0x51: {  	_ =	shalt  }
0x52: {  	_ =	shalt  }
0x53: {  	_ =	shalt  }
0x54: {  	_ =	shalt  }
0x55: {  	_ =	shalt  }
0x56: {  	_ =	shalt  }
0x57: {  	_ =	shalt  }
0x58: {  	_ =	shalt  }
0x59: {  	_ =	shalt  }
0x5a: {  	_ =	shalt  }
0x5b: {  	_ =	shalt  }
0x5c: {  	_ =	shalt  }
0x5d: {  	_ =	shalt  }
0x5e: {  	_ =	shalt  }
0x5f: {  	_ =	shalt  }
0x60: {  	_ =	shalt  }
0x61: {  	_ =	shalt  }
0x62: {  	_ =	shalt  }
0x63: {  	_ =	shalt  }
0x64: {  	_ =	shalt  }
0x65: {  	_ =	shalt  }
0x66: {  	_ =	shalt  }
0x67: {  	_ =	shalt  }
0x68: {  	_ =	shalt  }
0x69: {  	_ =	shalt  }
0x6a: {  	_ =	shalt  }
0x6b: {  	_ =	shalt  }
0x6c: {  	_ =	shalt  }
0x6d: {  	_ =	shalt  }
0x6e: {  	_ =	shalt  }
0x6f: {  	_ =	shalt  }
0x70: {  	_ =	shalt  }
0x71: {  	_ =	shalt  }
0x72: {  	_ =	shalt  }
0x73: {  	_ =	shalt  }
0x74: {  	_ =	shalt  }
0x75: {  	_ =	shalt  }
0x76: {  	_ =	shalt  }
0x77: {  	_ =	shalt  }
0x78: {  	_ =	shalt  }
0x79: {  	_ =	shalt  }
0x7a: {  	_ =	shalt  }
0x7b: {  	_ =	shalt  }
0x7c: {  	_ =	shalt  }
0x7d: {  	_ =	shalt  }
0x7e: {  	_ =	shalt  }
0x7f: {  	_ =	shalt  }
0x80: {  	_ =	shalt  }
0x81: {  	_ =	shalt  }
0x82: {  	_ =	shalt  }
0x83: {  	_ =	shalt  }
0x84: {  	_ =	shalt  }
0x85: {  	_ =	shalt  }
0x86: {  	_ =	shalt  }
0x87: {  	_ =	shalt  }
.Lfunc_end0:
.L_simem_size_0:
called_computation_lowered:
.L_overlay_start_0:
0x88: {  	s2 =	sld [smem:$0x3FD9]  }
0x89: {  	s3 =	sld [smem:$0x3FFE];
	_ =	sdelay $0x1  }
0x8a: {  	s1 =	srdreg.scid  }
0x8b: {  	s0 =	sand.u32 $0x1, s1  }
0x8c: {  	s17 =	sshll.u32 s0, $0xA;
	s2 =	sadd.s32 s3, s2  }
0x8d: {  	s2 =	sadd.s32 s2, s17  }
0x8e: {  	[smem:$0x3FBF] =	sst s2  }
0x8f: {  	_ = 	snop  }
0x90: {  	s2 =	sld [smem:$0x3FC9];
	(tm) =	ssettm $0x1  }
0x91: {  	s18 =	sld [smem:$0x3FFB];
	_ =	sdelay $0x3  }
0x92: {  	_ =	strace s18  }
0x93: {  	s3 =	sld [smem:$0x3FFC];
	_ =	sdelay $0x3  }
0x94: {  	_ =	strace s3  }
0x95: {  	s3 =	sld [smem:$0x3FFD];
	_ =	sdelay $0x3  }
0x96: {  	_ =	strace s3  }
0x97: {  	_ =	strace $0x8FFFFFFF  }
0x98: {  	s19 =	sld [smem:$0x3FDB];
	_ =	sdelay $0x1  }
0x99: {  	s4 =	simm.s32 $_scs_section_size  }
0x9a: {  	s5 =	simm.s32 $_size__tile_overlayer_lowered;
	s6 =	simm.s32 $_tile_overlayer_lowered  }
0x9b: {  	s22 =	simm.s32 $0x1BFF;
	s21 =	sshll.u32 s6, $0x1;
	s3 =	sadd.s32 s4, s19  }
0x9c: {  	s7 =	simm.s32 $0x0;
	s20 =	sshll.u32 s5, $0x1;
	s5 =	sadd.s32 s21, s3  }
0x9d: {  	[timem:s7], [sflag:s22] =	dma.local [hbm:s5], s20  }
0x9e: {  	_ =	swait.ge [sflag:s22], s20  }
0x9f: {  	s4 =	ssub.s32 $0x0, s20;
	[sflag:s22] =	ssyncset.done $0x0  }
0xa0: {  	[sflag:s22] =	ssyncadd.s32 s4;
	_ =	sdelay $0x1  }
0xa1: {  	s23 =	simm.s32 $0x1B8B  }
0xa2: {  	_ =	swait.ge [sflag:s23], $0x1  }
0xa3: {  	[sflag:s23] =	ssyncset.done $0x0  }
0xa4: {  	s25 =	simm.s32 $0x1B8E;
	s24 =	sld [smem:$0x3FFE];
	[sflag:s23] =	ssyncadd.s32 $0xFFFFFFFF  }
0xa5: {  	s26 =	simm.s32 $execute0_lowered;
	[smem:$0x3FD2] =	sst s25  }
0xa6: {  	s5 =	sshll.u32 s26, $0x1;
	_ =	strace $0x80000046;
	[dreg:$0x1] =	wrdreg $0xFFFFFFFF  }
0xa7: {  	s28 =	simm.s32 $_size_execute0_lowered;
	s3 =	sadd.s32 s3, s5;
	[dreg:$0x0] =	wrdreg $0x0  }
0xa8: {  	s5 =	sshll.u32 s28, $0x1;
	[dreg:$0x2] =	wrdreg s3  }
0xa9: {  	[dreg:$0x3] =	wrdreg s5  }
0xaa: {  	[dreg:$0x4] =	wrdreg $0xC0  }
0xab: {  	_ =	task [dreg:s7], $0x5FFFF  }
0xac: {  	[dreg:$0x1] =	wrdreg $0xFFFFFFFF  }
0xad: {  	[dreg:$0x0] =	wrdreg $0x60  }
0xae: {  	[dreg:$0x2] =	wrdreg s24  }
0xaf: {  	[dreg:$0x3] =	wrdreg s2  }
0xb0: {  	[dreg:$0x4] =	wrdreg $0x150000  }
0xb1: {  	[dreg:$0x5] =	wrdreg $0x9  }
0xb2: {  	_ =	task.clear_ibuf [dreg:s7], $0x6FFFF;
	_ =	strace $0x90000046  }
0xb3: {  	s29 =	simm.s32 $0x9;
	_ =	strace $0x80000048  }
0xb4: {  	_ =	swait.ge [sflag:s29], $0x1  }
0xb5: {  	[sflag:s29] =	ssyncadd.s32 $0xFFFFFFFF  }
0xb6: {  	_ =	strace $0x90000048  }
0xb7: {  	_ =	sfence  }
0xb8: {  	s30 =	sld [smem:$0x0];
	_ =	sdelay $0x2  }
0xb9: {  	s31 =	sshll.u32 s1, $0xD;
	s1 =	sshrl.u32 s1, $0x2  }
0xba: {  	s3 =	sand.u32 $0x4000, s31;
	s1 =	sadd.s32 s1, s30  }
0xbb: {  	s0 =	sor.u32 s3, s0;
	s1 =	sshll.u32 s1, $0x11  }
0xbc: {  	s0 =	sor.u32 s1, s0  }
0xbd: {  	s0 =	sadd.s32 $0x8F2B, s0  }
0xbe: {  	[sflag:s0] =	ssyncadd.remote.s32 $0x1  }
0xbf: {  	_ =	sfence.sel $0xFFFF  }
0xc0: {  	[dreg:$0x0] =	wrdreg $0xFFFFFFFF;
	(pc) =	sbr.abs _section_cstart, $3  }
0xc1: {  	[dreg:$0x1] =	wrdreg $0xFFFFFFFF  }
0xc2: {  	_ =	task.clear_ibuf [dreg:s7], $0x2FFFF;
	_ =	strace $0x9FFFFFFF  }
0xc3: {  	(tm) =	ssettm $0x7FFFFFFF  }
tec
execute0_lowered:
.L_overlay_start_1:
0x0: {  	(tag) =	ssettag $0x1  }
0x1: {  	s6 =	rddreg [dreg:$0x0]  }
0x2: {  	s1 =	rddreg [dreg:$0x1]  }
0x3: {  	s2 =	rddreg [dreg:$0x2]  }
0x4: {  	s3 =	srdreg.scid;
	s0 =	rddreg [dreg:$0x3]  }
0x5: {  	s4 =	simm.s32 $0x0;
	s13 =	simm.s32 $0x50;
	s14 =	simm.s32 $0x10000  }
0x6: {  	s15 =	simm.s32 $0x2;
	s16 =	simm.s32 $0x1;
	s7 =	sand.u32 $0x1, s3  }
0x7: {  	s17 =	simm.s32 $0x12800;
	s3 =	stileid.u32;
	s5 =	smul.u32 $0xA0000, s7  }
0x8: {  	s20 =	simm.s32 $0x0;
	[smem:$0x7FF] =	sst s4;
	s9 =	smul.u32 $0xA000, s3  }
0x9: {  	s8 =	sshll.u32 s3, $0xC;
	_ =	strace $0x80000047;
	s11 =	smul.u32 $0x28000, s3  }
0xa: {  	s10 =	ssub.s32 $0x2, s7;
	s18 =	smul.u32 $0x1400, s7;
	s19 =	sshll.u32 s3, $0x6  }
0xb: {  	s8 =	sadd.s32 s8, s6;
	s12 =	sshrl.u32 s10, $0x1;
	s9 =	sadd.s32 s9, s5  }
0xc: {  	s5 =	sadd.s32 $0x21400, s6;
	s10 =	ssub.s32 s10, s12;
	s11 =	sshrl.u32 s11, $0x2  }
0xd: {  	s7 =	sadd.s32 $0x11400, s8;
	v0 =	vmov s18;
	s18 =	simm.s32 $0xFC80;
	s9 =	sshrl.u32 s9, $0x3  }
0xe: {  	s31 =	sadd.s32 s11, s2;
	s11 =	sor.u32 $0x1C02, s19;
	s19 =	sor.u32 $0x1C03, s19  }
0xf: {  	s9 =	sadd.s32 s9, s6;
	s6 =	sadd.s32 $0x1400, s8;
	s12 =	sshrl.u32 s31, $0x3  }
0x10: {  	s8 =	sadd.s32 $0x22800, s9;
	s9 =	smax.u32 s10, $0x1;
	s10 =	simm.s32 $0x3  }
.LBB2_1:
0x11: {  	[tilespmem:s4], [sflag:$0x3] =	stream.linear.gather [hbm4b:s6+s4], $0x7D00, $0x38;
	[tilespmem:$0x1F040] =	vst v63  }
0x12: {  	_ =	swait.ge [sflag:s10], $0x7D00  }
0x13: {  	[sflag:s10] =	ssyncset.done $0x0  }
0x14: {  	s21 =	simm.s32 $0x8000;
	[sflag:s10] =	ssyncadd.s32 $0xFFFF8300  }
0x15: {  	[spmem:s12], [sflag:s11] =	dma.local [hbm:s5], $0x1400  }
0x16: {  	[tilespmem:s21], [sflag:$0x2] =	stream.linear.gather [hbm4b:s7+s4], $0x7D00, $0x38;
	[tilespmem:$0x1F040] =	vst v63  }
0x17: {  	_ = 	snop  }
0x18: {  	[tilespmem:s14], [sflag:$0x1] =	stream.indirect.gather [hbm4b:s1+s13], $0x80, s4, s13, $0xb8;
	[tilespmem:$0x1F040] =	vst v63  }
0x19: {  	_ =	swait.ge [sflag:s15], $0x1400  }
0x1a: {  	[sflag:s15] =	ssyncset.done $0x0  }
0x1b: {  	[sflag:s15] =	ssyncadd.s32 $0xFFFFEC00  }
0x1c: {  	_ =	swait.ge [sflag:s15], $0x7D00  }
0x1d: {  	[sflag:s15] =	ssyncset.done $0x0  }
0x1e: {  	[sflag:s15] =	ssyncadd.s32 $0xFFFF8300  }
0x1f: {  	[bflag:$0x0] =	sbarrier.arrive $0xFFFF  }
0x20: {  	v1 =	vld [tilespmem:s21+$0x20]  }
0x21: {  	v2 =	vld [tilespmem:s21+$0x30]  }
0x22: {  	v3 =	vld [tilespmem:s21+$0x40]  }
0x23: {  	v4 =	vld [tilespmem:s21+$0x0]  }
0x24: {  	v5 =	vld [tilespmem:s21+$0x10]  }
0x25: {  	v1 =	vsub.s32 v1, v0  }
0x26: {  	v2 =	vsub.s32 v2, v0;
	v1 =	vmin.u32 v1, $0x1400  }
0x27: {  	[tilespmem:s21+$0x20] =	vst v1;
	v1 =	vmin.u32 v2, $0x1400;
	v2 =	vsub.s32 v3, v0  }
0x28: {  	v3 =	vsub.s32 v4, v0;
	[tilespmem:s21+$0x30] =	vst v1;
	v1 =	vmin.u32 v2, $0x1400  }
0x29: {  	v2 =	vmin.u32 v3, $0x1400;
	v3 =	vsub.s32 v5, v0;
	[tilespmem:s21+$0x40] =	vst v1  }
0x2a: {  	[tilespmem:s21+$0x0] =	vst v2;
	v1 =	vmin.u32 v3, $0x1400  }
0x2b: {  	[tilespmem:s21+$0x10] =	vst v1  }
0x2c: {  	s22 =	sand.u32 $0x1, s16;
	_ =	swait.ge [sflag:s16], $0x2800  }
0x2d: {  	s23 =	simm.s32 $0x12800;
	p0 =	seq.s32 s22, $0x1;
	[sflag:s16] =	ssyncset.done $0x0  }
0x2e: {  	s22 =	simm.s32 $0x80;
	s23 =	simm.s32 @!p0 $0x10000;
	[sflag:s16] =	ssyncadd.s32 $0xFFFFD800  }
0x2f: {  	[tilespmem:s23], [sflag:$0x1] =	stream.indirect.gather [hbm4b:s1+s13], $0x80, s22, s13, $0xb8;
	[tilespmem:$0x1F040] =	vst v63  }
0x30: {  	s23 =	simm.s32 $0x10000  }
0x31: {  	s23 =	simm.s32 @!p0 $0x12800  }
0x32: {  	[spmem:s2] =	stream.indirect.scatter.add.f32 [tilespmem:s23], [sflag:$0x3], $0x80, s21, s13, $0xb8;
	[tilespmem:$0x1F040] =	vst v63  }
0x33: {  	_ =	swait.ge [sflag:s10], $0x2800  }
0x34: {  	s23 =	simm.s32 $0x2;
	[sflag:s10] =	ssyncset.done $0x0  }
.LBB2_2:
0x35: {  	[sflag:s10] =	ssyncadd.s32 $0xFFFFD800;
	s22 =	sadd.s32 $0x80, s22;
	s21 =	sadd.s32 $0x80, s21  }
0x36: {  	p0 =	sne.s32 s23, $0xF9;
	s24 =	smov.u32 s23;
	s23 =	sadd.s32 $0x1, s23;
	v1 =	vld [tilespmem:s21+$0x20]  }
0x37: {  	v2 =	vld [tilespmem:s21+$0x30]  }
0x38: {  	v3 =	vld [tilespmem:s21+$0x40]  }
0x39: {  	v4 =	vld [tilespmem:s21+$0x0]  }
0x3a: {  	v5 =	vld [tilespmem:s21+$0x10]  }
0x3b: {  	v1 =	vsub.s32 v1, v0  }
0x3c: {  	v1 =	vmin.u32 v1, $0x1400;
	v2 =	vsub.s32 v2, v0  }
0x3d: {  	[tilespmem:s21+$0x20] =	vst v1;
	v1 =	vmin.u32 v2, $0x1400;
	v2 =	vsub.s32 v3, v0  }
0x3e: {  	v3 =	vsub.s32 v4, v0;
	[tilespmem:s21+$0x30] =	vst v1;
	v1 =	vmin.u32 v2, $0x1400  }
0x3f: {  	v2 =	vmin.u32 v3, $0x1400;
	v3 =	vsub.s32 v5, v0;
	[tilespmem:s21+$0x40] =	vst v1  }
0x40: {  	[tilespmem:s21+$0x0] =	vst v2;
	v1 =	vmin.u32 v3, $0x1400  }
0x41: {  	[tilespmem:s21+$0x10] =	vst v1  }
0x42: {  	s24 =	sand.u32 $0x1, s24;
	_ =	swait.ge [sflag:s16], $0x2800  }
0x43: {  	p1 =	seq.s32 s24, $0x1;
	s24 =	simm.s32 $0x12800;
	[sflag:s16] =	ssyncset.done $0x0  }
0x44: {  	s24 =	simm.s32 @!p1 $0x10000;
	[sflag:s16] =	ssyncadd.s32 $0xFFFFD800  }
0x45: {  	[tilespmem:s24], [sflag:$0x1] =	stream.indirect.gather [hbm4b:s1+s13], $0x80, s22, s13, $0xb8;
	[tilespmem:$0x1F040] =	vst v63  }
.Ltmp0:
0x46: {  	s24 =	simm.s32 $0x10000;
	(pc) =	sbr.rel @p0 .LBB2_2-.Ltmp0, $4  }
0x47: {  	s24 =	simm.s32 @!p1 $0x12800  }
0x48: {  	[spmem:s2] =	stream.indirect.scatter.add.f32 [tilespmem:s24], [sflag:$0x3], $0x80, s21, s13, $0xb8;
	[tilespmem:$0x1F040] =	vst v63  }
0x49: {  	_ =	swait.ge [sflag:s10], $0x2800  }
0x4a: {  	[sflag:s10] =	ssyncset.done $0x0  }
0x4b: {  	[sflag:s10] =	ssyncadd.s32 $0xFFFFD800  }
0x4c: {  	v1 =	vld [tilespmem:$0xFC80]  }
0x4d: {  	v2 =	vld [tilespmem:$0xFC90]  }
0x4e: {  	v3 =	vld [tilespmem:$0xFCA0]  }
0x4f: {  	v4 =	vld [tilespmem:$0xFCB0]  }
0x50: {  	v5 =	vld [tilespmem:$0xFCC0]  }
0x51: {  	v1 =	vsub.s32 v1, v0  }
0x52: {  	v2 =	vsub.s32 v2, v0;
	v1 =	vmin.u32 v1, $0x1400  }
0x53: {  	[tilespmem:$0xFC80] =	vst v1;
	v1 =	vmin.u32 v2, $0x1400;
	v2 =	vsub.s32 v3, v0  }
0x54: {  	[tilespmem:$0xFC90] =	vst v1;
	v1 =	vmin.u32 v2, $0x1400;
	v2 =	vsub.s32 v4, v0  }
0x55: {  	[tilespmem:$0xFCA0] =	vst v1;
	v1 =	vmin.u32 v2, $0x1400;
	v2 =	vsub.s32 v5, v0  }
0x56: {  	[tilespmem:$0xFCB0] =	vst v1;
	v1 =	vmin.u32 v2, $0x1400  }
0x57: {  	[tilespmem:$0xFCC0] =	vst v1  }
0x58: {  	_ =	swait.ge [sflag:s16], $0x2800  }
0x59: {  	[sflag:s16] =	ssyncset.done $0x0  }
0x5a: {  	[sflag:s16] =	ssyncadd.s32 $0xFFFFD800  }
0x5b: {  	[spmem:s2] =	stream.indirect.scatter.add.f32 [tilespmem:s17], [sflag:$0x3], $0x80, s18, s13, $0xb8;
	[tilespmem:$0x1F040] =	vst v63  }
0x5c: {  	_ =	swait.ge [sflag:s10], $0x2800  }
0x5d: {  	s20 =	sadd.s32 $0x1, s20;
	[sflag:s10] =	ssyncset.done $0x0  }
0x5e: {  	p0 =	sne.s32 s20, s9;
	[sflag:s10] =	ssyncadd.s32 $0xFFFFD800  }
.Ltmp1:
0x5f: {  	[bflag:$0x0] =	sbarrier.arrive $0xFFFF;
	(pc) =	sbr.rel @p0 .LBB2_1-.Ltmp1, $4  }
0x60: {  	[hbm:s8], [sflag:s19] =	dma.local [spmem:s12], $0x1400  }
0x61: {  	_ =	swait.ge [sflag:s10], $0x1400  }
0x62: {  	[sflag:s10] =	ssyncset.done $0x0  }
0x63: {  	[sflag:s10] =	ssyncadd.s32 $0xFFFFEC00  }
0x64: {  	_ =	sfence.sel $0x180000  }
0x65: {  	[bflag:$0x0] =	sbarrier.arrive $0xFFFF  }
0x66: {  	p0 =	sne.s32 s3, $0x0;
	_ =	strace $0x90000047  }
0x67: {  	s0 =	sadd.s32 @!p0 $0x100000, s0;
	[bflag:$0x2] =	sbarrier.arrive $0xFFFF  }
0x68: {  	[sflag:s0] =	ssyncadd.tile.s32 @!p0 $0x1;
	_ =	shalt  }
.Lfunc_end2:
_tile_overlayer_lowered:
.L_overlay_start_2:
0x69: {  	(tag) =	ssettag $0x2  }
0x6a: {  	s0 =	rddreg [dreg:$0x0];
	s2 =	stileid.u32  }
0x6b: {  	s1 =	rddreg [dreg:$0x1];
	p0 =	sne.s32 s2, $0x0  }
0x6c: {  	s3 =	rddreg [dreg:$0x2];
	[bflag:$0x3] =	sbarrier.arrive $0xFFFF;
	s2 =	simm.s32 @!p0 $0x1C03  }
0x6d: {  	[timem:s3], [sflag:s2] =	dma.local @!p0 [hbm:s0], s1  }
0x6e: {  	s0 =	simm.s32 @!p0 $0x3  }
0x6f: {  	_ =	swait.ge @!p0 [sflag:s0], s1  }
0x70: {  	s1 =	ssub.s32 @!p0 $0x0, s1;
	[sflag:s0] =	ssyncset.done @!p0 $0x0  }
0x71: {  	[sflag:s0] =	ssyncadd.s32 @!p0 s1  }
0x72: {  	[bflag:$0x3] =	sbarrier.arrive $0xFFFF  }
0x73: {  	_ =	shalt  }

</sc_bundles>
